<compile_context>
chip_gen: v7x
topology: tpu7x:2x2x1
jax: 0.10.2.dev20260603
libtpu: 0.0.44.dev20260713+nightly
codegen_flags: <defaults>
</compile_context>

<pallas_src>
import jax
import jax.numpy as jnp
import numpy as np
from jax.experimental import pallas as pl
from jax.experimental.pallas import tpu as pltpu
from jax.experimental.pallas import tpu_sc as plsc

N_ROWS = 128
N_COLS = 100000
BLK_V = 2048
N_BLOCKS = (N_COLS + BLK_V - 1) // BLK_V


def _rotl(x, d):
    return jax.lax.shift_left(x, np.int32(d)) | jax.lax.shift_right_logical(
        x, np.int32(32 - d)
    )


def _threefry2x32_bits(flat_idx):
    ks0 = jnp.int32(0)
    ks1 = jnp.int32(42)
    ks2 = ks0 ^ ks1 ^ jnp.int32(0x1BD11BDA)
    rot_a = (13, 15, 26, 6)
    rot_b = (17, 29, 16, 24)

    def four_rounds(x0, x1, rots):
        for r in rots:
            x0 = x0 + x1
            x1 = _rotl(x1, r)
            x1 = x0 ^ x1
        return x0, x1

    x1 = flat_idx + ks1
    x0 = x1
    x1 = _rotl(x1, rot_a[0]) ^ x0
    for r in rot_a[1:]:
        x0 = x0 + x1
        x1 = _rotl(x1, r)
        x1 = x0 ^ x1
    x0 = x0 + ks1
    x1 = x1 + ks2 + jnp.int32(1)
    x0, x1 = four_rounds(x0, x1, rot_b)
    x0 = x0 + ks2
    x1 = x1 + ks0 + jnp.int32(2)
    x0, x1 = four_rounds(x0, x1, rot_a)
    x0 = x0 + ks0
    x1 = x1 + ks1 + jnp.int32(3)
    x0, x1 = four_rounds(x0, x1, rot_b)
    x0 = x0 + ks1
    x1 = x1 + ks2 + jnp.int32(4)
    x0, x1 = four_rounds(x0, x1, rot_a)
    x0 = x0 + ks2
    x1 = x1 + ks0 + jnp.int32(5)
    return x0 ^ x1


def _gumbel_noise(bits):
    fb = jax.lax.shift_right_logical(bits, np.int32(9)) | jnp.int32(0x3F800000)
    u = jax.lax.bitcast_convert_type(fb, jnp.float32) - 1.0
    return -jnp.log(-jnp.log(u + 1e-08) + 1e-08)


def _argmax_kernel(lt_ref, idx_ref, vmax_ref, vidx_ref):
    j = pl.program_id(0)
    v0 = j * BLK_V
    blk = lt_ref[...].T
    r_id = jax.lax.broadcasted_iota(jnp.int32, (N_ROWS, BLK_V), 0)
    v_id = jax.lax.broadcasted_iota(jnp.int32, (N_ROWS, BLK_V), 1) + v0
    bits = _threefry2x32_bits(r_id * N_COLS + v_id)
    noise = _gumbel_noise(bits)
    z = jnp.where(v_id < N_COLS, blk + noise, -jnp.inf)
    bmax = jnp.max(z, axis=1, keepdims=True)
    bidx = jnp.min(
        jnp.where(z == bmax, v_id, jnp.int32(0x7FFFFFFF)), axis=1, keepdims=True
    )
    @pl.when(j == 0)
    def _():
        vmax_ref[...] = bmax
        vidx_ref[...] = bidx

    @pl.when(j > 0)
    def _():
        better = bmax > vmax_ref[...]
        vidx_ref[...] = jnp.where(better, bidx, vidx_ref[...])
        vmax_ref[...] = jnp.where(better, bmax, vmax_ref[...])

    @pl.when(j == pl.num_programs(0) - 1)
    def _():
        idx_ref[...] = vidx_ref[...].T


def _patch_kernel(idx_sref, idx_ref, zeros_ref, out_ref, patch_ref, sem):
    del zeros_ref
    idxv = idx_ref[...]
    s_io = jax.lax.broadcasted_iota(jnp.int32, (8, N_ROWS), 0)

    def build(r, _):
        band_start = (idx_sref[r] // 8) * 8
        patch_ref[pl.ds(r * 8, 8), :] = (s_io + band_start == idxv).astype(
            jnp.float32
        )
        return 0

    jax.lax.fori_loop(0, N_ROWS, build, 0)

    def launch(r, _):
        band_start = (idx_sref[r] // 8) * 8
        pltpu.make_async_copy(
            patch_ref.at[pl.ds(r * 8, 8), :],
            out_ref.at[pl.ds(band_start, 8), :],
            sem,
        ).start()
        return 0

    jax.lax.fori_loop(0, N_ROWS, launch, 0)

    def wait(r, _):
        pltpu.make_async_copy(
            patch_ref.at[pl.ds(r * 8, 8), :],
            out_ref.at[pl.ds((idx_sref[r] // 8) * 8, 8), :],
            sem,
        ).wait()
        return 0

    jax.lax.fori_loop(0, N_ROWS, wait, 0)


_SC_MESH = plsc.VectorSubcoreMesh(
    core_axis_name="core", subcore_axis_name="subcore"
)
_SC_TILES = 32
_SC_CHUNK = 800
_SC_NCHUNK = N_COLS // _SC_CHUNK


@pl.kernel(
    out_type=jax.ShapeDtypeStruct((N_COLS, N_ROWS), jnp.float32),
    mesh=_SC_MESH,
    scratch_types=[
        pltpu.VMEM((_SC_CHUNK, N_ROWS), jnp.float32),
        pltpu.SemaphoreType.DMA,
    ],
)
def _sc_zerofill(o_hbm, zblk, sem):
    tile = jax.lax.axis_index("core") * 16 + jax.lax.axis_index("subcore")

    @pl.loop(0, _SC_CHUNK)
    def _(i):
        @pl.loop(0, N_ROWS, step=16)
        def _(c):
            zblk[i, pl.ds(c, 16)] = jnp.zeros((16,), jnp.float32)

    @pl.loop(0, 4)
    def _(k):
        c = jnp.minimum(tile + _SC_TILES * k, _SC_NCHUNK - 1)
        off = pl.multiple_of(c * _SC_CHUNK, 8)
        pltpu.async_copy(zblk, o_hbm.at[pl.ds(off, _SC_CHUNK), :], sem).wait()


def kernel(logits):
    lt = logits.T
    zeros_t = _sc_zerofill()
    idx = pl.pallas_call(
        _argmax_kernel,
        grid=(N_BLOCKS,),
        in_specs=[pl.BlockSpec((BLK_V, N_ROWS), lambda j: (j, 0))],
        out_specs=pl.BlockSpec((1, N_ROWS), lambda j: (0, 0)),
        out_shape=jax.ShapeDtypeStruct((1, N_ROWS), jnp.int32),
        scratch_shapes=[
            pltpu.VMEM((N_ROWS, 1), jnp.float32),
            pltpu.VMEM((N_ROWS, 1), jnp.int32),
        ],
    )(lt)
    out_t = pl.pallas_call(
        _patch_kernel,
        in_specs=[
            pl.BlockSpec(memory_space=pltpu.SMEM),
            pl.BlockSpec(memory_space=pltpu.VMEM),
            pl.BlockSpec(memory_space=pl.ANY),
        ],
        out_specs=pl.BlockSpec(memory_space=pl.ANY),
        out_shape=jax.ShapeDtypeStruct((N_COLS, N_ROWS), jnp.float32),
        scratch_shapes=[
            pltpu.VMEM((8 * N_ROWS, N_ROWS), jnp.float32),
            pltpu.SemaphoreType.DMA,
        ],
        input_output_aliases={2: 0},
    )(jnp.reshape(idx, (N_ROWS,)), idx, zeros_t)
    return out_t.T

# --- scband reference (transcript-rebuilt; emitter-appended) ---
"""Pipeline reference for scband-gumbel-softmax-16260746182657 (READ-ONLY COPY).

The authoritative reference and input builder live on the scoring server;
editing this copy changes nothing except your own understanding.
"""

import jax, jax.numpy as jnp
import numpy as np

TEMPERATURE = 1.0

def setup_inputs(seed: int = 0) -> dict:
    key = jax.random.key(seed)
    logits = jax.random.normal(key, (128, 100000), dtype=jnp.float32)
    return {"logits": logits}

def reference(logits):
    # Training-mode Gumbel-Softmax with hard straight-through (torch default training=True)
    noise_key = jax.random.key(42)
    u = jax.random.uniform(noise_key, logits.shape, dtype=logits.dtype)
    gumbel_noise = -jnp.log(-jnp.log(u + 1e-08) + 1e-08)
    y_soft = jax.nn.softmax((logits + gumbel_noise) / TEMPERATURE, axis=-1)
    max_indices = jnp.argmax(y_soft, axis=-1)
    y_hard = jax.nn.one_hot(max_indices, logits.shape[-1], dtype=y_soft.dtype)
    # straight-through estimator: hard forward, soft gradient
    return y_hard - jax.lax.stop_gradient(y_soft) + y_soft

if __name__ == "__main__":
    import jax
    _d = setup_inputs()
    print(jax.jit(kernel)(*tuple(_d.values())))

</pallas_src>

<mosaic_0001>
#map = affine_map<(d0, d1) -> (0, 0)>
module attributes {stable_mosaic.version = 14 : i64} {
  func.func @_sc_zerofill(%arg0: i32, %arg1: i32, %arg2: memref<100000x128xf32, #tpu.memory_space<hbm>>, %arg3: memref<800x128xf32, #tpu.memory_space<vmem>>, %arg4: memref<!tpu.dma_semaphore, #tpu.memory_space<semaphore_mem>>) attributes {dimension_semantics = [#tpu.dimension_semantics<core_parallel>, #tpu.dimension_semantics<subcore_parallel>], iteration_bounds = array<i64: 2, 16>, scalar_prefetch = 0 : i64, scratch_operands = 2 : i64, tpu.core_type = #tpu.core_type<sc_vector_subcore>, window_params = [{transform_indices = #map}]} {
    %mul3A = arith.constant 16 : i32
    %mul3A_0 = arith.muli %arg0, %mul3A : i32
    %add3A = arith.addi %mul3A_0, %arg1 : i32
    %scan3A = arith.constant 0 : i32
    %scan3A_1 = arith.constant 800 : i32
    %scan3A_2 = arith.addi %scan3A, %scan3A_1 : i32
    %scan3A_3 = arith.constant 1 : i32
    scf.for %scan3A_10 = %scan3A to %scan3A_2 step %scan3A_3  : i32 {
      %mul3A_11 = arith.constant 1 : i32
      %mul3A_12 = arith.muli %scan3A_10, %mul3A_11 : i32
      %add3A_13 = arith.constant 0 : i32
      %add3A_14 = arith.addi %add3A_13, %mul3A_12 : i32
      %scan3A_15 = arith.constant 0 : i32
      %scan3A_16 = arith.constant 8 : i32
      %scan3A_17 = arith.addi %scan3A_15, %scan3A_16 : i32
      %scan3A_18 = arith.constant 1 : i32
      scf.for %scan3A_20 = %scan3A_15 to %scan3A_17 step %scan3A_18  : i32 {
        %mul3A_21 = arith.constant 16 : i32
        %mul3A_22 = arith.muli %scan3A_20, %mul3A_21 : i32
        %add3A_23 = arith.constant 0 : i32
        %add3A_24 = arith.addi %add3A_23, %mul3A_22 : i32
        %broadcast_in_dim3A = arith.constant 0.000000e+00 : f32
        %broadcast_in_dim3A_25 = vector.broadcast %broadcast_in_dim3A : f32 to vector<16xf32>
        %swap3A = arith.index_cast %add3A_14 : i32 to index
        %swap3A_26 = arith.index_cast %add3A_24 : i32 to index
        %swap3A_27 = tpu.vector_load %arg3[%swap3A, %swap3A_26] {strides = array<i32>} : memref<800x128xf32, #tpu.memory_space<vmem>>, vector<1x16xf32>,
        %swap3A_28 = vector.shape_cast %swap3A_27 : vector<1x16xf32> to vector<16xf32>
        %swap3A_29 = vector.shape_cast %broadcast_in_dim3A_25 : vector<16xf32> to vector<1x16xf32>
        tpu.vector_store %arg3[%swap3A, %swap3A_26], %swap3A_29 {strides = array<i32>} : memref<800x128xf32, #tpu.memory_space<vmem>>, vector<1x16xf32>,
      }
      %scan3A_19 = arith.constant 8 : i32
    }
    %scan3A_4 = arith.constant 800 : i32
    %scan3A_5 = arith.constant 0 : i32
    %scan3A_6 = arith.constant 4 : i32
    %scan3A_7 = arith.addi %scan3A_5, %scan3A_6 : i32
    %scan3A_8 = arith.constant 1 : i32
    scf.for %scan3A_10 = %scan3A_5 to %scan3A_7 step %scan3A_8  : i32 {
      %mul3A_11 = arith.constant 1 : i32
      %mul3A_12 = arith.muli %scan3A_10, %mul3A_11 : i32
      %add3A_13 = arith.constant 0 : i32
      %add3A_14 = arith.addi %add3A_13, %mul3A_12 : i32
      %mul3A_15 = arith.constant 32 : i32
      %mul3A_16 = arith.muli %mul3A_15, %add3A_14 : i32
      %add3A_17 = arith.addi %add3A, %mul3A_16 : i32
      %min3A = arith.constant 124 : i32
      %min3A_18 = arith.minsi %add3A_17, %min3A : i32
      %mul3A_19 = arith.constant 800 : i32
      %mul3A_20 = arith.muli %min3A_18, %mul3A_19 : i32
      %multiple_of3A = tpu.assume_multiple %mul3A_20, 8 : i32
      %dma_start3A = arith.constant 0 : i32
      %dma_start3A_21 = tpu.memref_slice %arg2[%multiple_of3A, %dma_start3A] : memref<100000x128xf32, #tpu.memory_space<hbm>> -> memref<800x128xf32, #tpu.memory_space<hbm>>
      %dma_start3A_22 = arith.constant 0 : i32
      %dma_start3A_23 = tpu.memref_slice %arg2[%multiple_of3A, %dma_start3A_22] : memref<100000x128xf32, #tpu.memory_space<hbm>> -> memref<800x128xf32, #tpu.memory_space<hbm>>
      tpu.enqueue_dma source(%arg3 : memref<800x128xf32, #tpu.memory_space<vmem>>) target(%dma_start3A_23 : memref<800x128xf32, #tpu.memory_space<hbm>>) target_semaphore(%arg4 : memref<!tpu.dma_semaphore, #tpu.memory_space<semaphore_mem>>)
      %dma_wait3A = arith.constant 0 : i32
      %dma_wait3A_24 = tpu.memref_slice %arg2[%multiple_of3A, %dma_wait3A] : memref<100000x128xf32, #tpu.memory_space<hbm>> -> memref<800x128xf32, #tpu.memory_space<hbm>>
      %dma_wait3A_25 = arith.constant 0 : i32
      %dma_wait3A_26 = tpu.memref_slice %arg2[%multiple_of3A, %dma_wait3A_25] : memref<100000x128xf32, #tpu.memory_space<hbm>> -> memref<800x128xf32, #tpu.memory_space<hbm>>
      tpu.wait_dma2 semaphore(%arg4 : memref<!tpu.dma_semaphore, #tpu.memory_space<semaphore_mem>>) src(%arg3 : memref<800x128xf32, #tpu.memory_space<vmem>>) dst(%dma_wait3A_26 : memref<800x128xf32, #tpu.memory_space<hbm>>)
    }
    %scan3A_9 = arith.constant 4 : i32
    return
  }
}

module attributes {stable_mosaic.version = 14 : i64} {
  func.func @_argmax_kernel(%arg0: i32, %arg1: memref<2048x128xf32, #tpu.memory_space<vmem>>, %arg2: memref<1x128xi32, #tpu.memory_space<vmem>>, %arg3: memref<128x1xf32, #tpu.memory_space<vmem>>, %arg4: memref<128x1xi32, #tpu.memory_space<vmem>>) attributes {dimension_semantics = [#tpu.dimension_semantics<arbitrary>], iteration_bounds = array<i64: 49>, scalar_prefetch = 0 : i64, scratch_operands = 2 : i64, tpu.core_type = #tpu.core_type<tc>, window_params = [{transform_indices = @transform_0, window_bounds = array<i64: 2048, 128>}, {pipeline_mode = #tpu.pipeline_mode<synchronous>, transform_indices = @transform_1, window_bounds = array<i64: 1, 128>}]} {
    %mul3A = arith.constant 2048 : i32
    %mul3A_0 = arith.muli %arg0, %mul3A : i32
    %get3A = arith.constant 0 : index
    %get3A_1 = arith.constant 0 : index
    %get3A_2 = vector.load %arg1[%get3A, %get3A_1] : memref<2048x128xf32, #tpu.memory_space<vmem>>, vector<2048x128xf32>
    %transpose3A = tpu.transpose %get3A_2, [1, 0] : vector<2048x128xf32> -> vector<128x2048xf32>
    %iota3A = tpu.iota {dimensions = array<i32: 0>} : vector<128x2048xi32>
    %iota3A_3 = tpu.iota {dimensions = array<i32: 1>} : vector<128x2048xi32>
    %add3A = vector.broadcast %mul3A_0 : i32 to vector<128x2048xi32>
    %add3A_4 = arith.addi %iota3A_3, %add3A : vector<128x2048xi32>
    %mul3A_5 = arith.constant 100000 : i32
    %mul3A_6 = vector.broadcast %mul3A_5 : i32 to vector<128x2048xi32>
    %mul3A_7 = arith.muli %iota3A, %mul3A_6 : vector<128x2048xi32>
    %add3A_8 = arith.addi %mul3A_7, %add3A_4 : vector<128x2048xi32>
    %xor3A = arith.constant 0 : i32
    %xor3A_9 = arith.constant 42 : i32
    %xor3A_10 = arith.xori %xor3A, %xor3A_9 : i32
    %xor3A_11 = arith.constant 466688986 : i32
    %xor3A_12 = arith.xori %xor3A_10, %xor3A_11 : i32
    %add3A_13 = arith.constant 42 : i32
    %add3A_14 = vector.broadcast %add3A_13 : i32 to vector<128x2048xi32>
    %add3A_15 = arith.addi %add3A_8, %add3A_14 : vector<128x2048xi32>
    %shift_left3A = arith.constant 13 : i32
    %shift_left3A_16 = vector.broadcast %shift_left3A : i32 to vector<128x2048xi32>
    %shift_left3A_17 = arith.shli %add3A_15, %shift_left3A_16 : vector<128x2048xi32>
    %shift_right_logical3A = arith.constant 19 : i32
    %shift_right_logical3A_18 = vector.broadcast %shift_right_logical3A : i32 to vector<128x2048xi32>
    %shift_right_logical3A_19 = arith.shrui %add3A_15, %shift_right_logical3A_18 : vector<128x2048xi32>
    %or3A = arith.ori %shift_left3A_17, %shift_right_logical3A_19 : vector<128x2048xi32>
    %xor3A_20 = arith.xori %or3A, %add3A_15 : vector<128x2048xi32>
    %add3A_21 = arith.addi %add3A_15, %xor3A_20 : vector<128x2048xi32>
    %shift_left3A_22 = arith.constant 15 : i32
    %shift_left3A_23 = vector.broadcast %shift_left3A_22 : i32 to vector<128x2048xi32>
    %shift_left3A_24 = arith.shli %xor3A_20, %shift_left3A_23 : vector<128x2048xi32>
    %shift_right_logical3A_25 = arith.constant 17 : i32
    %shift_right_logical3A_26 = vector.broadcast %shift_right_logical3A_25 : i32 to vector<128x2048xi32>
    %shift_right_logical3A_27 = arith.shrui %xor3A_20, %shift_right_logical3A_26 : vector<128x2048xi32>
    %or3A_28 = arith.ori %shift_left3A_24, %shift_right_logical3A_27 : vector<128x2048xi32>
    %xor3A_29 = arith.xori %add3A_21, %or3A_28 : vector<128x2048xi32>
    %add3A_30 = arith.addi %add3A_21, %xor3A_29 : vector<128x2048xi32>
    %shift_left3A_31 = arith.constant 26 : i32
    %shift_left3A_32 = vector.broadcast %shift_left3A_31 : i32 to vector<128x2048xi32>
    %shift_left3A_33 = arith.shli %xor3A_29, %shift_left3A_32 : vector<128x2048xi32>
    %shift_right_logical3A_34 = arith.constant 6 : i32
    %shift_right_logical3A_35 = vector.broadcast %shift_right_logical3A_34 : i32 to vector<128x2048xi32>
    %shift_right_logical3A_36 = arith.shrui %xor3A_29, %shift_right_logical3A_35 : vector<128x2048xi32>
    %or3A_37 = arith.ori %shift_left3A_33, %shift_right_logical3A_36 : vector<128x2048xi32>
    %xor3A_38 = arith.xori %add3A_30, %or3A_37 : vector<128x2048xi32>
    %add3A_39 = arith.addi %add3A_30, %xor3A_38 : vector<128x2048xi32>
    %shift_left3A_40 = arith.constant 6 : i32
    %shift_left3A_41 = vector.broadcast %shift_left3A_40 : i32 to vector<128x2048xi32>
    %shift_left3A_42 = arith.shli %xor3A_38, %shift_left3A_41 : vector<128x2048xi32>
    %shift_right_logical3A_43 = arith.constant 26 : i32
    %shift_right_logical3A_44 = vector.broadcast %shift_right_logical3A_43 : i32 to vector<128x2048xi32>
    %shift_right_logical3A_45 = arith.shrui %xor3A_38, %shift_right_logical3A_44 : vector<128x2048xi32>
    %or3A_46 = arith.ori %shift_left3A_42, %shift_right_logical3A_45 : vector<128x2048xi32>
    %xor3A_47 = arith.xori %add3A_39, %or3A_46 : vector<128x2048xi32>
    %add3A_48 = arith.constant 42 : i32
    %add3A_49 = vector.broadcast %add3A_48 : i32 to vector<128x2048xi32>
    %add3A_50 = arith.addi %add3A_39, %add3A_49 : vector<128x2048xi32>
    %add3A_51 = vector.broadcast %xor3A_12 : i32 to vector<128x2048xi32>
    %add3A_52 = arith.addi %xor3A_47, %add3A_51 : vector<128x2048xi32>
    %add3A_53 = arith.constant 1 : i32
    %add3A_54 = vector.broadcast %add3A_53 : i32 to vector<128x2048xi32>
    %add3A_55 = arith.addi %add3A_52, %add3A_54 : vector<128x2048xi32>
    %add3A_56 = arith.addi %add3A_50, %add3A_55 : vector<128x2048xi32>
    %shift_left3A_57 = arith.constant 17 : i32
    %shift_left3A_58 = vector.broadcast %shift_left3A_57 : i32 to vector<128x2048xi32>
    %shift_left3A_59 = arith.shli %add3A_55, %shift_left3A_58 : vector<128x2048xi32>
    %shift_right_logical3A_60 = arith.constant 15 : i32
    %shift_right_logical3A_61 = vector.broadcast %shift_right_logical3A_60 : i32 to vector<128x2048xi32>
    %shift_right_logical3A_62 = arith.shrui %add3A_55, %shift_right_logical3A_61 : vector<128x2048xi32>
    %or3A_63 = arith.ori %shift_left3A_59, %shift_right_logical3A_62 : vector<128x2048xi32>
    %xor3A_64 = arith.xori %add3A_56, %or3A_63 : vector<128x2048xi32>
    %add3A_65 = arith.addi %add3A_56, %xor3A_64 : vector<128x2048xi32>
    %shift_left3A_66 = arith.constant 29 : i32
    %shift_left3A_67 = vector.broadcast %shift_left3A_66 : i32 to vector<128x2048xi32>
    %shift_left3A_68 = arith.shli %xor3A_64, %shift_left3A_67 : vector<128x2048xi32>
    %shift_right_logical3A_69 = arith.constant 3 : i32
    %shift_right_logical3A_70 = vector.broadcast %shift_right_logical3A_69 : i32 to vector<128x2048xi32>
    %shift_right_logical3A_71 = arith.shrui %xor3A_64, %shift_right_logical3A_70 : vector<128x2048xi32>
    %or3A_72 = arith.ori %shift_left3A_68, %shift_right_logical3A_71 : vector<128x2048xi32>
    %xor3A_73 = arith.xori %add3A_65, %or3A_72 : vector<128x2048xi32>
    %add3A_74 = arith.addi %add3A_65, %xor3A_73 : vector<128x2048xi32>
    %shift_left3A_75 = arith.constant 16 : i32
    %shift_left3A_76 = vector.broadcast %shift_left3A_75 : i32 to vector<128x2048xi32>
    %shift_left3A_77 = arith.shli %xor3A_73, %shift_left3A_76 : vector<128x2048xi32>
    %shift_right_logical3A_78 = arith.constant 16 : i32
    %shift_right_logical3A_79 = vector.broadcast %shift_right_logical3A_78 : i32 to vector<128x2048xi32>
    %shift_right_logical3A_80 = arith.shrui %xor3A_73, %shift_right_logical3A_79 : vector<128x2048xi32>
    %or3A_81 = arith.ori %shift_left3A_77, %shift_right_logical3A_80 : vector<128x2048xi32>
    %xor3A_82 = arith.xori %add3A_74, %or3A_81 : vector<128x2048xi32>
    %add3A_83 = arith.addi %add3A_74, %xor3A_82 : vector<128x2048xi32>
    %shift_left3A_84 = arith.constant 24 : i32
    %shift_left3A_85 = vector.broadcast %shift_left3A_84 : i32 to vector<128x2048xi32>
    %shift_left3A_86 = arith.shli %xor3A_82, %shift_left3A_85 : vector<128x2048xi32>
    %shift_right_logical3A_87 = arith.constant 8 : i32
    %shift_right_logical3A_88 = vector.broadcast %shift_right_logical3A_87 : i32 to vector<128x2048xi32>
    %shift_right_logical3A_89 = arith.shrui %xor3A_82, %shift_right_logical3A_88 : vector<128x2048xi32>
    %or3A_90 = arith.ori %shift_left3A_86, %shift_right_logical3A_89 : vector<128x2048xi32>
    %xor3A_91 = arith.xori %add3A_83, %or3A_90 : vector<128x2048xi32>
    %add3A_92 = vector.broadcast %xor3A_12 : i32 to vector<128x2048xi32>
    %add3A_93 = arith.addi %add3A_83, %add3A_92 : vector<128x2048xi32>
    %add3A_94 = arith.constant 0 : i32
    %add3A_95 = vector.broadcast %add3A_94 : i32 to vector<128x2048xi32>
    %add3A_96 = arith.addi %xor3A_91, %add3A_95 : vector<128x2048xi32>
    %add3A_97 = arith.constant 2 : i32
    %add3A_98 = vector.broadcast %add3A_97 : i32 to vector<128x2048xi32>
    %add3A_99 = arith.addi %add3A_96, %add3A_98 : vector<128x2048xi32>
    %add3A_100 = arith.addi %add3A_93, %add3A_99 : vector<128x2048xi32>
    %shift_left3A_101 = arith.constant 13 : i32
    %shift_left3A_102 = vector.broadcast %shift_left3A_101 : i32 to vector<128x2048xi32>
    %shift_left3A_103 = arith.shli %add3A_99, %shift_left3A_102 : vector<128x2048xi32>
    %shift_right_logical3A_104 = arith.constant 19 : i32
    %shift_right_logical3A_105 = vector.broadcast %shift_right_logical3A_104 : i32 to vector<128x2048xi32>
    %shift_right_logical3A_106 = arith.shrui %add3A_99, %shift_right_logical3A_105 : vector<128x2048xi32>
    %or3A_107 = arith.ori %shift_left3A_103, %shift_right_logical3A_106 : vector<128x2048xi32>
    %xor3A_108 = arith.xori %add3A_100, %or3A_107 : vector<128x2048xi32>
    %add3A_109 = arith.addi %add3A_100, %xor3A_108 : vector<128x2048xi32>
    %shift_left3A_110 = arith.constant 15 : i32
    %shift_left3A_111 = vector.broadcast %shift_left3A_110 : i32 to vector<128x2048xi32>
    %shift_left3A_112 = arith.shli %xor3A_108, %shift_left3A_111 : vector<128x2048xi32>
    %shift_right_logical3A_113 = arith.constant 17 : i32
    %shift_right_logical3A_114 = vector.broadcast %shift_right_logical3A_113 : i32 to vector<128x2048xi32>
    %shift_right_logical3A_115 = arith.shrui %xor3A_108, %shift_right_logical3A_114 : vector<128x2048xi32>
    %or3A_116 = arith.ori %shift_left3A_112, %shift_right_logical3A_115 : vector<128x2048xi32>
    %xor3A_117 = arith.xori %add3A_109, %or3A_116 : vector<128x2048xi32>
    %add3A_118 = arith.addi %add3A_109, %xor3A_117 : vector<128x2048xi32>
    %shift_left3A_119 = arith.constant 26 : i32
    %shift_left3A_120 = vector.broadcast %shift_left3A_119 : i32 to vector<128x2048xi32>
    %shift_left3A_121 = arith.shli %xor3A_117, %shift_left3A_120 : vector<128x2048xi32>
    %shift_right_logical3A_122 = arith.constant 6 : i32
    %shift_right_logical3A_123 = vector.broadcast %shift_right_logical3A_122 : i32 to vector<128x2048xi32>
    %shift_right_logical3A_124 = arith.shrui %xor3A_117, %shift_right_logical3A_123 : vector<128x2048xi32>
    %or3A_125 = arith.ori %shift_left3A_121, %shift_right_logical3A_124 : vector<128x2048xi32>
    %xor3A_126 = arith.xori %add3A_118, %or3A_125 : vector<128x2048xi32>
    %add3A_127 = arith.addi %add3A_118, %xor3A_126 : vector<128x2048xi32>
    %shift_left3A_128 = arith.constant 6 : i32
    %shift_left3A_129 = vector.broadcast %shift_left3A_128 : i32 to vector<128x2048xi32>
    %shift_left3A_130 = arith.shli %xor3A_126, %shift_left3A_129 : vector<128x2048xi32>
    %shift_right_logical3A_131 = arith.constant 26 : i32
    %shift_right_logical3A_132 = vector.broadcast %shift_right_logical3A_131 : i32 to vector<128x2048xi32>
    %shift_right_logical3A_133 = arith.shrui %xor3A_126, %shift_right_logical3A_132 : vector<128x2048xi32>
    %or3A_134 = arith.ori %shift_left3A_130, %shift_right_logical3A_133 : vector<128x2048xi32>
    %xor3A_135 = arith.xori %add3A_127, %or3A_134 : vector<128x2048xi32>
    %add3A_136 = arith.constant 0 : i32
    %add3A_137 = vector.broadcast %add3A_136 : i32 to vector<128x2048xi32>
    %add3A_138 = arith.addi %add3A_127, %add3A_137 : vector<128x2048xi32>
    %add3A_139 = arith.constant 42 : i32
    %add3A_140 = vector.broadcast %add3A_139 : i32 to vector<128x2048xi32>
    %add3A_141 = arith.addi %xor3A_135, %add3A_140 : vector<128x2048xi32>
    %add3A_142 = arith.constant 3 : i32
    %add3A_143 = vector.broadcast %add3A_142 : i32 to vector<128x2048xi32>
    %add3A_144 = arith.addi %add3A_141, %add3A_143 : vector<128x2048xi32>
    %add3A_145 = arith.addi %add3A_138, %add3A_144 : vector<128x2048xi32>
    %shift_left3A_146 = arith.constant 17 : i32
    %shift_left3A_147 = vector.broadcast %shift_left3A_146 : i32 to vector<128x2048xi32>
    %shift_left3A_148 = arith.shli %add3A_144, %shift_left3A_147 : vector<128x2048xi32>
    %shift_right_logical3A_149 = arith.constant 15 : i32
    %shift_right_logical3A_150 = vector.broadcast %shift_right_logical3A_149 : i32 to vector<128x2048xi32>
    %shift_right_logical3A_151 = arith.shrui %add3A_144, %shift_right_logical3A_150 : vector<128x2048xi32>
    %or3A_152 = arith.ori %shift_left3A_148, %shift_right_logical3A_151 : vector<128x2048xi32>
    %xor3A_153 = arith.xori %add3A_145, %or3A_152 : vector<128x2048xi32>
    %add3A_154 = arith.addi %add3A_145, %xor3A_153 : vector<128x2048xi32>
    %shift_left3A_155 = arith.constant 29 : i32
    %shift_left3A_156 = vector.broadcast %shift_left3A_155 : i32 to vector<128x2048xi32>
    %shift_left3A_157 = arith.shli %xor3A_153, %shift_left3A_156 : vector<128x2048xi32>
    %shift_right_logical3A_158 = arith.constant 3 : i32
    %shift_right_logical3A_159 = vector.broadcast %shift_right_logical3A_158 : i32 to vector<128x2048xi32>
    %shift_right_logical3A_160 = arith.shrui %xor3A_153, %shift_right_logical3A_159 : vector<128x2048xi32>
    %or3A_161 = arith.ori %shift_left3A_157, %shift_right_logical3A_160 : vector<128x2048xi32>
    %xor3A_162 = arith.xori %add3A_154, %or3A_161 : vector<128x2048xi32>
    %add3A_163 = arith.addi %add3A_154, %xor3A_162 : vector<128x2048xi32>
    %shift_left3A_164 = arith.constant 16 : i32
    %shift_left3A_165 = vector.broadcast %shift_left3A_164 : i32 to vector<128x2048xi32>
    %shift_left3A_166 = arith.shli %xor3A_162, %shift_left3A_165 : vector<128x2048xi32>
    %shift_right_logical3A_167 = arith.constant 16 : i32
    %shift_right_logical3A_168 = vector.broadcast %shift_right_logical3A_167 : i32 to vector<128x2048xi32>
    %shift_right_logical3A_169 = arith.shrui %xor3A_162, %shift_right_logical3A_168 : vector<128x2048xi32>
    %or3A_170 = arith.ori %shift_left3A_166, %shift_right_logical3A_169 : vector<128x2048xi32>
    %xor3A_171 = arith.xori %add3A_163, %or3A_170 : vector<128x2048xi32>
    %add3A_172 = arith.addi %add3A_163, %xor3A_171 : vector<128x2048xi32>
    %shift_left3A_173 = arith.constant 24 : i32
    %shift_left3A_174 = vector.broadcast %shift_left3A_173 : i32 to vector<128x2048xi32>
    %shift_left3A_175 = arith.shli %xor3A_171, %shift_left3A_174 : vector<128x2048xi32>
    %shift_right_logical3A_176 = arith.constant 8 : i32
    %shift_right_logical3A_177 = vector.broadcast %shift_right_logical3A_176 : i32 to vector<128x2048xi32>
    %shift_right_logical3A_178 = arith.shrui %xor3A_171, %shift_right_logical3A_177 : vector<128x2048xi32>
    %or3A_179 = arith.ori %shift_left3A_175, %shift_right_logical3A_178 : vector<128x2048xi32>
    %xor3A_180 = arith.xori %add3A_172, %or3A_179 : vector<128x2048xi32>
    %add3A_181 = arith.constant 42 : i32
    %add3A_182 = vector.broadcast %add3A_181 : i32 to vector<128x2048xi32>
    %add3A_183 = arith.addi %add3A_172, %add3A_182 : vector<128x2048xi32>
    %add3A_184 = vector.broadcast %xor3A_12 : i32 to vector<128x2048xi32>
    %add3A_185 = arith.addi %xor3A_180, %add3A_184 : vector<128x2048xi32>
    %add3A_186 = arith.constant 4 : i32
    %add3A_187 = vector.broadcast %add3A_186 : i32 to vector<128x2048xi32>
    %add3A_188 = arith.addi %add3A_185, %add3A_187 : vector<128x2048xi32>
    %add3A_189 = arith.addi %add3A_183, %add3A_188 : vector<128x2048xi32>
    %shift_left3A_190 = arith.constant 13 : i32
    %shift_left3A_191 = vector.broadcast %shift_left3A_190 : i32 to vector<128x2048xi32>
    %shift_left3A_192 = arith.shli %add3A_188, %shift_left3A_191 : vector<128x2048xi32>
    %shift_right_logical3A_193 = arith.constant 19 : i32
    %shift_right_logical3A_194 = vector.broadcast %shift_right_logical3A_193 : i32 to vector<128x2048xi32>
    %shift_right_logical3A_195 = arith.shrui %add3A_188, %shift_right_logical3A_194 : vector<128x2048xi32>
    %or3A_196 = arith.ori %shift_left3A_192, %shift_right_logical3A_195 : vector<128x2048xi32>
    %xor3A_197 = arith.xori %add3A_189, %or3A_196 : vector<128x2048xi32>
    %add3A_198 = arith.addi %add3A_189, %xor3A_197 : vector<128x2048xi32>
    %shift_left3A_199 = arith.constant 15 : i32
    %shift_left3A_200 = vector.broadcast %shift_left3A_199 : i32 to vector<128x2048xi32>
    %shift_left3A_201 = arith.shli %xor3A_197, %shift_left3A_200 : vector<128x2048xi32>
    %shift_right_logical3A_202 = arith.constant 17 : i32
    %shift_right_logical3A_203 = vector.broadcast %shift_right_logical3A_202 : i32 to vector<128x2048xi32>
    %shift_right_logical3A_204 = arith.shrui %xor3A_197, %shift_right_logical3A_203 : vector<128x2048xi32>
    %or3A_205 = arith.ori %shift_left3A_201, %shift_right_logical3A_204 : vector<128x2048xi32>
    %xor3A_206 = arith.xori %add3A_198, %or3A_205 : vector<128x2048xi32>
    %add3A_207 = arith.addi %add3A_198, %xor3A_206 : vector<128x2048xi32>
    %shift_left3A_208 = arith.constant 26 : i32
    %shift_left3A_209 = vector.broadcast %shift_left3A_208 : i32 to vector<128x2048xi32>
    %shift_left3A_210 = arith.shli %xor3A_206, %shift_left3A_209 : vector<128x2048xi32>
    %shift_right_logical3A_211 = arith.constant 6 : i32
    %shift_right_logical3A_212 = vector.broadcast %shift_right_logical3A_211 : i32 to vector<128x2048xi32>
    %shift_right_logical3A_213 = arith.shrui %xor3A_206, %shift_right_logical3A_212 : vector<128x2048xi32>
    %or3A_214 = arith.ori %shift_left3A_210, %shift_right_logical3A_213 : vector<128x2048xi32>
    %xor3A_215 = arith.xori %add3A_207, %or3A_214 : vector<128x2048xi32>
    %add3A_216 = arith.addi %add3A_207, %xor3A_215 : vector<128x2048xi32>
    %shift_left3A_217 = arith.constant 6 : i32
    %shift_left3A_218 = vector.broadcast %shift_left3A_217 : i32 to vector<128x2048xi32>
    %shift_left3A_219 = arith.shli %xor3A_215, %shift_left3A_218 : vector<128x2048xi32>
    %shift_right_logical3A_220 = arith.constant 26 : i32
    %shift_right_logical3A_221 = vector.broadcast %shift_right_logical3A_220 : i32 to vector<128x2048xi32>
    %shift_right_logical3A_222 = arith.shrui %xor3A_215, %shift_right_logical3A_221 : vector<128x2048xi32>
    %or3A_223 = arith.ori %shift_left3A_219, %shift_right_logical3A_222 : vector<128x2048xi32>
    %xor3A_224 = arith.xori %add3A_216, %or3A_223 : vector<128x2048xi32>
    %add3A_225 = vector.broadcast %xor3A_12 : i32 to vector<128x2048xi32>
    %add3A_226 = arith.addi %add3A_216, %add3A_225 : vector<128x2048xi32>
    %add3A_227 = arith.constant 0 : i32
    %add3A_228 = vector.broadcast %add3A_227 : i32 to vector<128x2048xi32>
    %add3A_229 = arith.addi %xor3A_224, %add3A_228 : vector<128x2048xi32>
    %add3A_230 = arith.constant 5 : i32
    %add3A_231 = vector.broadcast %add3A_230 : i32 to vector<128x2048xi32>
    %add3A_232 = arith.addi %add3A_229, %add3A_231 : vector<128x2048xi32>
    %xor3A_233 = arith.xori %add3A_226, %add3A_232 : vector<128x2048xi32>
    %shift_right_logical3A_234 = arith.constant 9 : i32
    %shift_right_logical3A_235 = vector.broadcast %shift_right_logical3A_234 : i32 to vector<128x2048xi32>
    %shift_right_logical3A_236 = arith.shrui %xor3A_233, %shift_right_logical3A_235 : vector<128x2048xi32>
    %or3A_237 = arith.constant 1065353216 : i32
    %or3A_238 = vector.broadcast %or3A_237 : i32 to vector<128x2048xi32>
    %or3A_239 = arith.ori %shift_right_logical3A_236, %or3A_238 : vector<128x2048xi32>
    %bitcast_convert_type3A = tpu.bitcast %or3A_239 : vector<128x2048xi32> -> vector<128x2048xf32>
    %sub3A = arith.constant 1.000000e+00 : f32
    %sub3A_240 = vector.broadcast %sub3A : f32 to vector<128x2048xf32>
    %sub3A_241 = arith.subf %bitcast_convert_type3A, %sub3A_240 : vector<128x2048xf32>
    %add3A_242 = arith.constant 9.99999993E-9 : f32
    %add3A_243 = vector.broadcast %add3A_242 : f32 to vector<128x2048xf32>
    %add3A_244 = arith.addf %sub3A_241, %add3A_243 : vector<128x2048xf32>
    %log3A = math.log %add3A_244 : vector<128x2048xf32>
    %neg3A = arith.constant 0.000000e+00 : f32
    %neg3A_245 = vector.broadcast %neg3A : f32 to vector<128x2048xf32>
    %neg3A_246 = arith.subf %neg3A_245, %log3A : vector<128x2048xf32>
    %add3A_247 = arith.constant 9.99999993E-9 : f32
    %add3A_248 = vector.broadcast %add3A_247 : f32 to vector<128x2048xf32>
    %add3A_249 = arith.addf %neg3A_246, %add3A_248 : vector<128x2048xf32>
    %log3A_250 = math.log %add3A_249 : vector<128x2048xf32>
    %neg3A_251 = arith.constant 0.000000e+00 : f32
    %neg3A_252 = vector.broadcast %neg3A_251 : f32 to vector<128x2048xf32>
    %neg3A_253 = arith.subf %neg3A_252, %log3A_250 : vector<128x2048xf32>
    %lt3A = arith.constant 100000 : i32
    %lt3A_254 = vector.broadcast %lt3A : i32 to vector<128x2048xi32>
    %lt3A_255 = arith.cmpi slt, %add3A_4, %lt3A_254 : vector<128x2048xi32>
    %add3A_256 = arith.addf %transpose3A, %neg3A_253 : vector<128x2048xf32>
    %jit3A = arith.constant 0xFF800000 : f32
    %broadcast_in_dim3A = vector.broadcast %jit3A : f32 to vector<128x2048xf32>
    %select_n3A = arith.select %lt3A_255, %add3A_256, %broadcast_in_dim3A : vector<128x2048xi1>, vector<128x2048xf32>
    %reduce_max3A = arith.constant dense<0xFF800000> : vector<128xf32>
    %reduce_max3A_257 = vector.multi_reduction <maximumf>, %select_n3A, %reduce_max3A [1] : vector<128x2048xf32> to vector<128xf32>
    %broadcast_in_dim3A_258 = vector.shape_cast %reduce_max3A_257 : vector<128xf32> to vector<128x1xf32>
    %eq3A = vector.broadcast %broadcast_in_dim3A_258 : vector<128x1xf32> to vector<128x2048xf32>
    %eq3A_259 = arith.cmpf oeq, %select_n3A, %eq3A : vector<128x2048xf32>
    %jit3A_260 = arith.constant 2147483647 : i32
    %broadcast_in_dim3A_261 = vector.broadcast %jit3A_260 : i32 to vector<128x2048xi32>
    %select_n3A_262 = arith.select %eq3A_259, %add3A_4, %broadcast_in_dim3A_261 : vector<128x2048xi1>, vector<128x2048xi32>
    %reduce_min3A = arith.constant dense<2147483647> : vector<128xi32>
    %reduce_min3A_263 = vector.multi_reduction <minsi>, %select_n3A_262, %reduce_min3A [1] : vector<128x2048xi32> to vector<128xi32>
    %broadcast_in_dim3A_264 = vector.shape_cast %reduce_min3A_263 : vector<128xi32> to vector<128x1xi32>
    %eq3A_265 = arith.constant 0 : i32
    %eq3A_266 = arith.cmpi eq, %arg0, %eq3A_265 : i32
    %convert_element_type3A = arith.extui %eq3A_266 : i1 to i32
    %cond3A = arith.constant 0 : i32
    %cond3A_267 = arith.cmpi ne, %convert_element_type3A, %cond3A : i32
    scf.if %cond3A_267 {
      %swap3A = arith.constant 0 : index
      %swap3A_277 = arith.constant 0 : index
      %swap3A_278 = vector.load %arg3[%swap3A, %swap3A_277] : memref<128x1xf32, #tpu.memory_space<vmem>>, vector<128x1xf32>
      tpu.vector_store %arg3[%swap3A, %swap3A_277], %broadcast_in_dim3A_258 {strides = array<i32>} : memref<128x1xf32, #tpu.memory_space<vmem>>, vector<128x1xf32>,
      %swap3A_279 = arith.constant 0 : index
      %swap3A_280 = arith.constant 0 : index
      %swap3A_281 = vector.load %arg4[%swap3A_279, %swap3A_280] : memref<128x1xi32, #tpu.memory_space<vmem>>, vector<128x1xi32>
      tpu.vector_store %arg4[%swap3A_279, %swap3A_280], %broadcast_in_dim3A_264 {strides = array<i32>} : memref<128x1xi32, #tpu.memory_space<vmem>>, vector<128x1xi32>,
    } else {
    }
    %gt3A = arith.constant 0 : i32
    %gt3A_268 = arith.cmpi sgt, %arg0, %gt3A : i32
    %convert_element_type3A_269 = arith.extui %gt3A_268 : i1 to i32
    %cond3A_270 = arith.constant 0 : i32
    %cond3A_271 = arith.cmpi ne, %convert_element_type3A_269, %cond3A_270 : i32
    scf.if %cond3A_271 {
      %get3A_277 = arith.constant 0 : index
      %get3A_278 = arith.constant 0 : index
      %get3A_279 = vector.load %arg3[%get3A_277, %get3A_278] : memref<128x1xf32, #tpu.memory_space<vmem>>, vector<128x1xf32>
      %gt3A_280 = arith.cmpf ogt, %broadcast_in_dim3A_258, %get3A_279 : vector<128x1xf32>
      %get3A_281 = arith.constant 0 : index
      %get3A_282 = arith.constant 0 : index
      %get3A_283 = vector.load %arg4[%get3A_281, %get3A_282] : memref<128x1xi32, #tpu.memory_space<vmem>>, vector<128x1xi32>
      %select_n3A_284 = arith.select %gt3A_280, %broadcast_in_dim3A_264, %get3A_283 : vector<128x1xi1>, vector<128x1xi32>
      %swap3A = arith.constant 0 : index
      %swap3A_285 = arith.constant 0 : index
      %swap3A_286 = vector.load %arg4[%swap3A, %swap3A_285] : memref<128x1xi32, #tpu.memory_space<vmem>>, vector<128x1xi32>
      tpu.vector_store %arg4[%swap3A, %swap3A_285], %select_n3A_284 {strides = array<i32>} : memref<128x1xi32, #tpu.memory_space<vmem>>, vector<128x1xi32>,
      %get3A_287 = arith.constant 0 : index
      %get3A_288 = arith.constant 0 : index
      %get3A_289 = vector.load %arg3[%get3A_287, %get3A_288] : memref<128x1xf32, #tpu.memory_space<vmem>>, vector<128x1xf32>
      %select_n3A_290 = arith.select %gt3A_280, %broadcast_in_dim3A_258, %get3A_289 : vector<128x1xi1>, vector<128x1xf32>
      %swap3A_291 = arith.constant 0 : index
      %swap3A_292 = arith.constant 0 : index
      %swap3A_293 = vector.load %arg3[%swap3A_291, %swap3A_292] : memref<128x1xf32, #tpu.memory_space<vmem>>, vector<128x1xf32>
      tpu.vector_store %arg3[%swap3A_291, %swap3A_292], %select_n3A_290 {strides = array<i32>} : memref<128x1xf32, #tpu.memory_space<vmem>>, vector<128x1xf32>,
    } else {
    }
    %eq3A_272 = arith.constant 48 : i32
    %eq3A_273 = arith.cmpi eq, %arg0, %eq3A_272 : i32
    %convert_element_type3A_274 = arith.extui %eq3A_273 : i1 to i32
    %cond3A_275 = arith.constant 0 : i32
    %cond3A_276 = arith.cmpi ne, %convert_element_type3A_274, %cond3A_275 : i32
    scf.if %cond3A_276 {
      %get3A_277 = arith.constant 0 : index
      %get3A_278 = arith.constant 0 : index
      %get3A_279 = vector.load %arg4[%get3A_277, %get3A_278] : memref<128x1xi32, #tpu.memory_space<vmem>>, vector<128x1xi32>
      %transpose3A_280 = tpu.transpose %get3A_279, [1, 0] : vector<128x1xi32> -> vector<1x128xi32>
      %swap3A = arith.constant 0 : index
      %swap3A_281 = arith.constant 0 : index
      %swap3A_282 = vector.load %arg2[%swap3A, %swap3A_281] : memref<1x128xi32, #tpu.memory_space<vmem>>, vector<1x128xi32>
      tpu.vector_store %arg2[%swap3A, %swap3A_281], %transpose3A_280 {strides = array<i32>} : memref<1x128xi32, #tpu.memory_space<vmem>>, vector<1x128xi32>,
    } else {
    }
    return
  }
  func.func @transform_0(%arg0: i32) -> (i32, i32) {
    %c0_i32 = arith.constant 0 : i32
    %c0_i32_0 = arith.constant 0 : i32
    return %arg0, %c0_i32 : i32, i32
  }
  func.func @transform_1(%arg0: i32) -> (i32, i32) {
    %c0_i32 = arith.constant 0 : i32
    %c0_i32_0 = arith.constant 0 : i32
    %c0_i32_1 = arith.constant 0 : i32
    return %c0_i32, %c0_i32_0 : i32, i32
  }
}

module attributes {stable_mosaic.version = 14 : i64} {
  func.func @_patch_kernel(%arg0: memref<128xi32, #tpu.memory_space<smem>>, %arg1: memref<1x128xi32, #tpu.memory_space<vmem>>, %arg2: memref<100000x128xf32, #tpu.memory_space<any>>, %arg3: memref<100000x128xf32, #tpu.memory_space<any>>, %arg4: memref<1024x128xf32, #tpu.memory_space<vmem>>, %arg5: memref<!tpu.dma_semaphore, #tpu.memory_space<semaphore_mem>>) attributes {dimension_semantics = [], scalar_prefetch = 0 : i64, scratch_operands = 2 : i64, tpu.core_type = #tpu.core_type<tc>} {
    %get3A = arith.constant 0 : index
    %get3A_0 = arith.constant 0 : index
    %get3A_1 = vector.load %arg1[%get3A, %get3A_0] : memref<1x128xi32, #tpu.memory_space<vmem>>, vector<1x128xi32>
    %iota3A = tpu.iota {dimensions = array<i32: 0>} : vector<8x128xi32>
    %scan3A = arith.constant 0 : i32
    %scan3A_2 = arith.constant 128 : i32
    %scan3A_3 = arith.addi %scan3A, %scan3A_2 : i32
    %scan3A_4 = arith.constant 1 : i32
    scf.for %scan3A_16 = %scan3A to %scan3A_3 step %scan3A_4  : i32 {
      %get3A_17 = arith.index_cast %scan3A_16 : i32 to index
      %get3A_18 = memref.load %arg0[%get3A_17] : memref<128xi32, #tpu.memory_space<smem>>
      %jit3A = arith.constant 8 : i32
      %div3A = arith.divsi %get3A_18, %jit3A : i32
      %sign3A = arith.constant 0 : i32
      %sign3A_19 = arith.cmpi sgt, %get3A_18, %sign3A : i32
      %sign3A_20 = arith.extui %sign3A_19 : i1 to i32
      %sign3A_21 = arith.constant 0 : i32
      %sign3A_22 = arith.cmpi slt, %get3A_18, %sign3A_21 : i32
      %sign3A_23 = arith.extui %sign3A_22 : i1 to i32
      %sign3A_24 = arith.subi %sign3A_20, %sign3A_23 : i32
      %sign3A_25 = arith.constant 0 : i32
      %sign3A_26 = arith.cmpi sgt, %jit3A, %sign3A_25 : i32
      %sign3A_27 = arith.extui %sign3A_26 : i1 to i32
      %sign3A_28 = arith.constant 0 : i32
      %sign3A_29 = arith.cmpi slt, %jit3A, %sign3A_28 : i32
      %sign3A_30 = arith.extui %sign3A_29 : i1 to i32
      %sign3A_31 = arith.subi %sign3A_27, %sign3A_30 : i32
      %ne3A = arith.cmpi ne, %sign3A_24, %sign3A_31 : i32
      %rem3A = arith.remsi %get3A_18, %jit3A : i32
      %ne3A_32 = arith.constant 0 : i32
      %ne3A_33 = arith.cmpi ne, %rem3A, %ne3A_32 : i32
      %and3A = arith.andi %ne3A, %ne3A_33 : i1
      %sub3A = arith.constant 1 : i32
      %sub3A_34 = arith.subi %div3A, %sub3A : i32
      %select_n3A = arith.select %and3A, %sub3A_34, %div3A : i32
      %mul3A = arith.constant 8 : i32
      %mul3A_35 = arith.muli %select_n3A, %mul3A : i32
      %add3A = vector.broadcast %mul3A_35 : i32 to vector<8x128xi32>
      %add3A_36 = arith.addi %iota3A, %add3A : vector<8x128xi32>
      %eq3A = vector.broadcast %get3A_1 : vector<1x128xi32> to vector<8x128xi32>
      %eq3A_37 = arith.cmpi eq, %add3A_36, %eq3A : vector<8x128xi32>
      %convert_element_type3A = arith.extui %eq3A_37 : vector<8x128xi1> to vector<8x128xi32>
      %convert_element_type3A_38 = arith.sitofp %convert_element_type3A : vector<8x128xi32> to vector<8x128xf32>
      %mul3A_39 = arith.constant 8 : i32
      %mul3A_40 = arith.muli %scan3A_16, %mul3A_39 : i32
      %swap3A = arith.index_cast %mul3A_40 : i32 to index
      %swap3A_41 = arith.constant 0 : index
      %swap3A_42 = vector.load %arg4[%swap3A, %swap3A_41] : memref<1024x128xf32, #tpu.memory_space<vmem>>, vector<8x128xf32>
      tpu.vector_store %arg4[%swap3A, %swap3A_41], %convert_element_type3A_38 {strides = array<i32>} : memref<1024x128xf32, #tpu.memory_space<vmem>>, vector<8x128xf32>,
    }
    %scan3A_5 = arith.constant 128 : i32
    %scan3A_6 = arith.constant 0 : i32
    %scan3A_7 = arith.constant 128 : i32
    %scan3A_8 = arith.addi %scan3A_6, %scan3A_7 : i32
    %scan3A_9 = arith.constant 1 : i32
    scf.for %scan3A_16 = %scan3A_6 to %scan3A_8 step %scan3A_9  : i32 {
      %get3A_17 = arith.index_cast %scan3A_16 : i32 to index
      %get3A_18 = memref.load %arg0[%get3A_17] : memref<128xi32, #tpu.memory_space<smem>>
      %jit3A = arith.constant 8 : i32
      %div3A = arith.divsi %get3A_18, %jit3A : i32
      %sign3A = arith.constant 0 : i32
      %sign3A_19 = arith.cmpi sgt, %get3A_18, %sign3A : i32
      %sign3A_20 = arith.extui %sign3A_19 : i1 to i32
      %sign3A_21 = arith.constant 0 : i32
      %sign3A_22 = arith.cmpi slt, %get3A_18, %sign3A_21 : i32
      %sign3A_23 = arith.extui %sign3A_22 : i1 to i32
      %sign3A_24 = arith.subi %sign3A_20, %sign3A_23 : i32
      %sign3A_25 = arith.constant 0 : i32
      %sign3A_26 = arith.cmpi sgt, %jit3A, %sign3A_25 : i32
      %sign3A_27 = arith.extui %sign3A_26 : i1 to i32
      %sign3A_28 = arith.constant 0 : i32
      %sign3A_29 = arith.cmpi slt, %jit3A, %sign3A_28 : i32
      %sign3A_30 = arith.extui %sign3A_29 : i1 to i32
      %sign3A_31 = arith.subi %sign3A_27, %sign3A_30 : i32
      %ne3A = arith.cmpi ne, %sign3A_24, %sign3A_31 : i32
      %rem3A = arith.remsi %get3A_18, %jit3A : i32
      %ne3A_32 = arith.constant 0 : i32
      %ne3A_33 = arith.cmpi ne, %rem3A, %ne3A_32 : i32
      %and3A = arith.andi %ne3A, %ne3A_33 : i1
      %sub3A = arith.constant 1 : i32
      %sub3A_34 = arith.subi %div3A, %sub3A : i32
      %select_n3A = arith.select %and3A, %sub3A_34, %div3A : i32
      %mul3A = arith.constant 8 : i32
      %mul3A_35 = arith.muli %select_n3A, %mul3A : i32
      %mul3A_36 = arith.constant 8 : i32
      %mul3A_37 = arith.muli %scan3A_16, %mul3A_36 : i32
      %dma_start3A = arith.constant 0 : i32
      %dma_start3A_38 = tpu.memref_slice %arg3[%mul3A_35, %dma_start3A] : memref<100000x128xf32, #tpu.memory_space<any>> -> memref<8x128xf32, #tpu.memory_space<any>>
      %dma_start3A_39 = arith.constant 0 : i32
      %dma_start3A_40 = tpu.memref_slice %arg4[%mul3A_37, %dma_start3A_39] : memref<1024x128xf32, #tpu.memory_space<vmem>> -> memref<8x128xf32, #tpu.memory_space<vmem>>
      tpu.enqueue_dma source(%dma_start3A_40 : memref<8x128xf32, #tpu.memory_space<vmem>>) target(%dma_start3A_38 : memref<8x128xf32, #tpu.memory_space<any>>) target_semaphore(%arg5 : memref<!tpu.dma_semaphore, #tpu.memory_space<semaphore_mem>>)
    }
    %scan3A_10 = arith.constant 128 : i32
    %scan3A_11 = arith.constant 0 : i32
    %scan3A_12 = arith.constant 128 : i32
    %scan3A_13 = arith.addi %scan3A_11, %scan3A_12 : i32
    %scan3A_14 = arith.constant 1 : i32
    scf.for %scan3A_16 = %scan3A_11 to %scan3A_13 step %scan3A_14  : i32 {
      %mul3A = arith.constant 8 : i32
      %mul3A_17 = arith.muli %scan3A_16, %mul3A : i32
      %get3A_18 = arith.index_cast %scan3A_16 : i32 to index
      %get3A_19 = memref.load %arg0[%get3A_18] : memref<128xi32, #tpu.memory_space<smem>>
      %jit3A = arith.constant 8 : i32
      %div3A = arith.divsi %get3A_19, %jit3A : i32
      %sign3A = arith.constant 0 : i32
      %sign3A_20 = arith.cmpi sgt, %get3A_19, %sign3A : i32
      %sign3A_21 = arith.extui %sign3A_20 : i1 to i32
      %sign3A_22 = arith.constant 0 : i32
      %sign3A_23 = arith.cmpi slt, %get3A_19, %sign3A_22 : i32
      %sign3A_24 = arith.extui %sign3A_23 : i1 to i32
      %sign3A_25 = arith.subi %sign3A_21, %sign3A_24 : i32
      %sign3A_26 = arith.constant 0 : i32
      %sign3A_27 = arith.cmpi sgt, %jit3A, %sign3A_26 : i32
      %sign3A_28 = arith.extui %sign3A_27 : i1 to i32
      %sign3A_29 = arith.constant 0 : i32
      %sign3A_30 = arith.cmpi slt, %jit3A, %sign3A_29 : i32
      %sign3A_31 = arith.extui %sign3A_30 : i1 to i32
      %sign3A_32 = arith.subi %sign3A_28, %sign3A_31 : i32
      %ne3A = arith.cmpi ne, %sign3A_25, %sign3A_32 : i32
      %rem3A = arith.remsi %get3A_19, %jit3A : i32
      %ne3A_33 = arith.constant 0 : i32
      %ne3A_34 = arith.cmpi ne, %rem3A, %ne3A_33 : i32
      %and3A = arith.andi %ne3A, %ne3A_34 : i1
      %sub3A = arith.constant 1 : i32
      %sub3A_35 = arith.subi %div3A, %sub3A : i32
      %select_n3A = arith.select %and3A, %sub3A_35, %div3A : i32
      %mul3A_36 = arith.constant 8 : i32
      %mul3A_37 = arith.muli %select_n3A, %mul3A_36 : i32
      %dma_wait3A = arith.constant 0 : i32
      %dma_wait3A_38 = tpu.memref_slice %arg3[%mul3A_37, %dma_wait3A] : memref<100000x128xf32, #tpu.memory_space<any>> -> memref<8x128xf32, #tpu.memory_space<any>>
      %dma_wait3A_39 = arith.constant 0 : i32
      %dma_wait3A_40 = tpu.memref_slice %arg4[%mul3A_17, %dma_wait3A_39] : memref<1024x128xf32, #tpu.memory_space<vmem>> -> memref<8x128xf32, #tpu.memory_space<vmem>>
      tpu.wait_dma2 semaphore(%arg5 : memref<!tpu.dma_semaphore, #tpu.memory_space<semaphore_mem>>) src(%dma_wait3A_40 : memref<8x128xf32, #tpu.memory_space<vmem>>) dst(%dma_wait3A_38 : memref<8x128xf32, #tpu.memory_space<any>>)
    }
    %scan3A_15 = arith.constant 128 : i32
    return
  }
}

</mosaic_0001>

<sc_bundles>
// kernel: kernel.5.cloned.1.call-start
scs
__scs_entry_jumppad:
0x0: {  	(pc) =	sbr.rel $0x88, $3  }
0x1: {  	(tag) =	ssettag $0x0;
	lr =	simm.s32 $0x1  }
0x2: {  	[smem:$0x3FA0] =	sst lr;
	_ =	strace $0xD0000000  }
0x3: {  	_ = 	snop  }
0x4: {  	_ = 	snop  }
0x5: {  	_ = 	snop  }
0x6: {  	_ = 	snop  }
0x7: {  	_ = 	snop  }
__scs_overlays_trampoline_lowered:
0x8: {  	[smem:$0x3FAF] =	sst s0  }
0x9: {  	[smem:$0x3FB0] =	sst s1  }
0xa: {  	[smem:$0x3FB1] =	sst s2  }
0xb: {  	[smem:$0x3FB2] =	sst s3  }
0xc: {  	[smem:$0x3FB3] =	sst s4  }
0xd: {  	[smem:$0x3FB4] =	sst s5  }
0xe: {  	[smem:$0x3FB5] =	sst s6  }
0xf: {  	[smem:$0x3FB6] =	sst s7  }
0x10: {  	[smem:$0x3FB7] =	sst s8  }
0x11: {  	[smem:$0x3FB8] =	sst s9;
	s0 =	simm.s32 @!p0 $0x0  }
0x12: {  	s1 =	sld [smem:$0x3F9E];
	s0 =	simm.s32 @p0 $0x1  }
0x13: {  	[smem:$0x3FB9] =	sst s0;
	s0 =	simm.s32 @!p1 $0x0  }
0x14: {  	s2 =	sld [smem:$0x3F9D];
	s0 =	simm.s32 @p1 $0x1  }
0x15: {  	[smem:$0x3FBA] =	sst s0;
	s0 =	simm.s32 @!p2 $0x0  }
0x16: {  	s3 =	sld [smem:$0x3FDB];
	s0 =	simm.s32 @p2 $0x1  }
0x17: {  	s4 =	simm.s32 $0x1BF5;
	[smem:$0x3FBC] =	sst s0  }
0x18: {  	s0 =	sld [smem:$0x3F9F];
	_ =	swait.ge [sflag:s4], $0x0  }
0x19: {  	s7 =	sld [smem:$0x3FA0]  }
0x1a: {  	s8 =	sadd.s32 $0xFFFFE003, lr  }
0x1b: {  	s9 =	sadd.s32 $0xFFFFFEF7, lr;
	s5 =	simm.s32 $0xFFFFFFFF;
	p2 =	slt.u32 s8, $0xFFFFF086  }
0x1c: {  	p1 =	slt.u32 s9, $0xF7A;
	s5 =	simm.s32 @!p2 $0x0  }
0x1d: {  	s5 =	simm.s32 @p1 $0x1;
	p0 =	seq.s32 s7, s2  }
0x1e: {  	s7 =	smul.u32 @!p0 $0xF7A, s2;
	p2 =	seq.s32 @!p0 s5, $0x0  }
0x1f: {  	s9 =	smul.u32 $0xF7A, s1;
	s8 =	simm.s32 @!p0 $0x1BF5;
	p2 =	por !p2, p0  }
0x20: {  	[sflag:s8] =	ssyncset.s32 @!p0 $0xFFFFF086;
	s6 =	sadd.s32 @!p0 s3, s7;
	s7 =	simm.s32 @!p0 $0x108  }
0x21: {  	s3 =	sadd.s32 s3, s9;
	s6 =	sadd.s32 @!p0 $0x88, s6;
	s7 =	simm.s32 @p2 $0x1082  }
0x22: {  	[simem:s7], [sflag:s8] =	dma.local @!p0 [hbm:s6], $0xF7A  }
0x23: {  	s9 =	sor.u32 $0xD0000000, s2;
	s6 =	simm.s32 $0x108;
	_ =	swait.ge @!p0 [sflag:s8], $0x0  }
0x24: {  	s3 =	sadd.s32 $0x88, s3;
	s6 =	simm.s32 @!p1 $0x1082;
	[sflag:s4] =	ssyncset.s32 $0xFFFFF086  }
0x25: {  	[simem:s6], [sflag:s4] =	dma.local [hbm:s3], $0xF7A  }
0x26: {  	[smem:$0x3FA0] =	sst s1;
	(tag) =	ssettag s2;
	_ =	strace s9  }
0x27: {  	s1 =	sld [smem:$0x3FB0]  }
0x28: {  	s2 =	sld [smem:$0x3FB1]  }
0x29: {  	s4 =	sld [smem:$0x3FB3]  }
0x2a: {  	p0 =	seq.s32 s5, $0x0;
	s5 =	sld [smem:$0x3FB4]  }
0x2b: {  	s6 =	sld [smem:$0x3FB5]  }
0x2c: {  	s7 =	sld [smem:$0x3FB6]  }
0x2d: {  	s3 =	simm.s32 $0x108;
	s8 =	sld [smem:$0x3FB7]  }
0x2e: {  	s3 =	simm.s32 @!p0 $0x1082;
	s9 =	sld [smem:$0x3FB8]  }
0x2f: {  	lr =	sadd.s32 s0, s3;
	s0 =	sld [smem:$0x3FAF]  }
0x30: {  	s3 =	sld [smem:$0x3FB2]  }
0x31: {  	[smem:$0x3FBB] =	sst s10  }
0x32: {  	s10 =	sld [smem:$0x3FB9];
	_ =	sdelay $0x3  }
0x33: {  	p0 =	seq.s32 s10, $0x1;
	s10 =	sld [smem:$0x3FBB];
	_ =	sdelay $0x3  }
0x34: {  	[smem:$0x3FBB] =	sst s10  }
0x35: {  	s10 =	sld [smem:$0x3FBA];
	_ =	sdelay $0x3  }
0x36: {  	p1 =	seq.s32 s10, $0x1;
	s10 =	sld [smem:$0x3FBB];
	_ =	sdelay $0x3  }
0x37: {  	[smem:$0x3FBB] =	sst s10  }
0x38: {  	s10 =	sld [smem:$0x3FBC]  }
0x39: {  	_ = 	snop;
	(pc) =	sbr.ind lr, $3  }
0x3a: {  	_ = 	snop  }
0x3b: {  	_ = 	snop  }
0x3c: {  	p2 =	seq.s32 s10, $0x1;
	s10 =	sld [smem:$0x3FBB]  }
0x3d: {  	_ =	shalt  }
0x3e: {  	_ =	shalt  }
0x3f: {  	_ =	shalt  }
0x40: {  	_ =	shalt  }
0x41: {  	_ =	shalt  }
0x42: {  	_ =	shalt  }
0x43: {  	_ =	shalt  }
0x44: {  	_ =	shalt  }
0x45: {  	_ =	shalt  }
0x46: {  	_ =	shalt  }
0x47: {  	_ =	shalt  }
0x48: {  	_ =	shalt  }
0x49: {  	_ =	shalt  }
0x4a: {  	_ =	shalt  }
0x4b: {  	_ =	shalt  }
0x4c: {  	_ =	shalt  }
0x4d: {  	_ =	shalt  }
0x4e: {  	_ =	shalt  }
0x4f: {  	_ =	shalt  }
0x50: {  	_ =	shalt  }
0x51: {  	_ =	shalt  }
0x52: {  	_ =	shalt  }
0x53: {  	_ =	shalt  }
0x54: {  	_ =	shalt  }
0x55: {  	_ =	shalt  }
0x56: {  	_ =	shalt  }
0x57: {  	_ =	shalt  }
0x58: {  	_ =	shalt  }
0x59: {  	_ =	shalt  }
0x5a: {  	_ =	shalt  }
0x5b: {  	_ =	shalt  }
0x5c: {  	_ =	shalt  }
0x5d: {  	_ =	shalt  }
0x5e: {  	_ =	shalt  }
0x5f: {  	_ =	shalt  }
0x60: {  	_ =	shalt  }
0x61: {  	_ =	shalt  }
0x62: {  	_ =	shalt  }
0x63: {  	_ =	shalt  }
0x64: {  	_ =	shalt  }
0x65: {  	_ =	shalt  }
0x66: {  	_ =	shalt  }
0x67: {  	_ =	shalt  }
0x68: {  	_ =	shalt  }
0x69: {  	_ =	shalt  }
0x6a: {  	_ =	shalt  }
0x6b: {  	_ =	shalt  }
0x6c: {  	_ =	shalt  }
0x6d: {  	_ =	shalt  }
0x6e: {  	_ =	shalt  }
0x6f: {  	_ =	shalt  }
0x70: {  	_ =	shalt  }
0x71: {  	_ =	shalt  }
0x72: {  	_ =	shalt  }
0x73: {  	_ =	shalt  }
0x74: {  	_ =	shalt  }
0x75: {  	_ =	shalt  }
0x76: {  	_ =	shalt  }
0x77: {  	_ =	shalt  }
0x78: {  	_ =	shalt  }
0x79: {  	_ =	shalt  }
0x7a: {  	_ =	shalt  }
0x7b: {  	_ =	shalt  }
0x7c: {  	_ =	shalt  }
0x7d: {  	_ =	shalt  }
0x7e: {  	_ =	shalt  }
0x7f: {  	_ =	shalt  }
0x80: {  	_ =	shalt  }
0x81: {  	_ =	shalt  }
0x82: {  	_ =	shalt  }
0x83: {  	_ =	shalt  }
0x84: {  	_ =	shalt  }
0x85: {  	_ =	shalt  }
0x86: {  	_ =	shalt  }
0x87: {  	_ =	shalt  }
.Lfunc_end0:
.L_simem_size_0:
called_computation_lowered:
.L_overlay_start_0:
0x88: {  	s2 =	sld [smem:$0x3FD9]  }
0x89: {  	s3 =	sld [smem:$0x3FFE];
	_ =	sdelay $0x1  }
0x8a: {  	s1 =	srdreg.scid  }
0x8b: {  	s0 =	sand.u32 $0x1, s1  }
0x8c: {  	s18 =	sshll.u32 s0, $0xA;
	s2 =	sadd.s32 s3, s2  }
0x8d: {  	s2 =	sadd.s32 s2, s18  }
0x8e: {  	[smem:$0x3FC7] =	sst s2  }
0x8f: {  	_ = 	snop  }
0x90: {  	s2 =	sld [smem:$0x3FD0];
	(tm) =	ssettm $0x1  }
0x91: {  	s19 =	sld [smem:$0x3FFB];
	_ =	sdelay $0x3  }
0x92: {  	_ =	strace s19  }
0x93: {  	s3 =	sld [smem:$0x3FFC];
	_ =	sdelay $0x3  }
0x94: {  	_ =	strace s3  }
0x95: {  	s3 =	sld [smem:$0x3FFD];
	_ =	sdelay $0x3  }
0x96: {  	_ =	strace s3  }
0x97: {  	_ =	strace $0x8FFFFFFF  }
0x98: {  	s20 =	sld [smem:$0x3FDB];
	_ =	sdelay $0x1  }
0x99: {  	s4 =	simm.s32 $_scs_section_size  }
0x9a: {  	s5 =	simm.s32 $_size__tile_overlayer_lowered;
	s6 =	simm.s32 $_tile_overlayer_lowered  }
0x9b: {  	s23 =	simm.s32 $0x1BFF;
	s22 =	sshll.u32 s6, $0x1;
	s3 =	sadd.s32 s4, s20  }
0x9c: {  	s7 =	simm.s32 $0x0;
	s21 =	sshll.u32 s5, $0x1;
	s5 =	sadd.s32 s22, s3  }
0x9d: {  	[timem:s7], [sflag:s23] =	dma.local [hbm:s5], s21  }
0x9e: {  	_ =	swait.ge [sflag:s23], s21  }
0x9f: {  	s4 =	ssub.s32 $0x0, s21;
	[sflag:s23] =	ssyncset.done $0x0  }
0xa0: {  	[sflag:s23] =	ssyncadd.s32 s4;
	_ =	sdelay $0x1  }
0xa1: {  	s24 =	simm.s32 $0x1B8B  }
0xa2: {  	_ =	swait.ge [sflag:s24], $0x1  }
0xa3: {  	[sflag:s24] =	ssyncset.done $0x0  }
0xa4: {  	s25 =	simm.s32 $0x1B8E;
	[sflag:s24] =	ssyncadd.s32 $0xFFFFFFFF  }
0xa5: {  	s26 =	simm.s32 $execute0_lowered;
	[smem:$0x3FD2] =	sst s25  }
0xa6: {  	s4 =	sshll.u32 s26, $0x1;
	_ =	strace $0x80000046;
	[dreg:$0x1] =	wrdreg $0xFFFFFFFF  }
0xa7: {  	s28 =	simm.s32 $_size_execute0_lowered;
	s3 =	sadd.s32 s3, s4;
	[dreg:$0x0] =	wrdreg $0x0  }
0xa8: {  	s4 =	sshll.u32 s28, $0x1;
	[dreg:$0x2] =	wrdreg s3  }
0xa9: {  	[dreg:$0x3] =	wrdreg s4  }
0xaa: {  	[dreg:$0x4] =	wrdreg $0xC0  }
0xab: {  	_ =	task [dreg:s7], $0x5FFFF  }
0xac: {  	[dreg:$0x1] =	wrdreg $0xFFFFFFFF  }
0xad: {  	[dreg:$0x0] =	wrdreg $0x60  }
0xae: {  	[dreg:$0x2] =	wrdreg s2  }
0xaf: {  	[dreg:$0x3] =	wrdreg $0x9  }
0xb0: {  	_ =	task.clear_ibuf [dreg:s7], $0x4FFFF;
	_ =	strace $0x90000046  }
0xb1: {  	s29 =	simm.s32 $0x9;
	_ =	strace $0x80000048  }
0xb2: {  	_ =	swait.ge [sflag:s29], $0x1  }
0xb3: {  	[sflag:s29] =	ssyncadd.s32 $0xFFFFFFFF  }
0xb4: {  	_ =	strace $0x90000048  }
0xb5: {  	_ =	sfence  }
0xb6: {  	s30 =	sld [smem:$0x0];
	_ =	sdelay $0x2  }
0xb7: {  	s31 =	sshll.u32 s1, $0xD;
	s1 =	sshrl.u32 s1, $0x2  }
0xb8: {  	s3 =	sand.u32 $0x4000, s31;
	s1 =	sadd.s32 s1, s30  }
0xb9: {  	s0 =	sor.u32 s3, s0;
	s1 =	sshll.u32 s1, $0x11  }
0xba: {  	s0 =	sor.u32 s1, s0  }
0xbb: {  	s0 =	sadd.s32 $0x8F2B, s0  }
0xbc: {  	[sflag:s0] =	ssyncadd.remote.s32 $0x1  }
0xbd: {  	_ =	sfence.sel $0xFFFF  }
0xbe: {  	[dreg:$0x0] =	wrdreg $0xFFFFFFFF;
	(pc) =	sbr.abs _section_cstart, $3  }
0xbf: {  	[dreg:$0x1] =	wrdreg $0xFFFFFFFF  }
0xc0: {  	_ =	task.clear_ibuf [dreg:s7], $0x2FFFF;
	_ =	strace $0x9FFFFFFF  }
0xc1: {  	(tm) =	ssettm $0x7FFFFFFF  }
tec
execute0_lowered:
.L_overlay_start_1:
0x0: {  	(tag) =	ssettag $0x1  }
0x1: {  	s1 =	srdreg.scid  }
0x2: {  	s7 =	rddreg [dreg:$0x0];
	s3 =	sand.u32 $0x1, s1  }
0x3: {  	s0 =	rddreg [dreg:$0x1];
	s1 =	stileid.u32;
	s4 =	sshll.u32 s3, $0x4  }
0x4: {  	s2 =	simm.s32 $0x0;
	s9 =	simm.s32 $0x0;
	s4 =	sor.u32 s1, s4  }
0x5: {  	s3 =	ssub.s32 $0x2, s3;
	s5 =	smul.u32 $0x3200, s4;
	s4 =	sor.u32 $0x60, s4  }
0x6: {  	[smem:$0x7FF] =	sst s2;
	s6 =	sshrl.u32 s3, $0x1;
	s4 =	smin.u32 s4, $0x7C  }
0x7: {  	s6 =	ssub.s32 s3, s6;
	s3 =	sadd.s32 s7, s5;
	s8 =	smul.u32 $0x3200, s4  }
0x8: {  	_ =	strace $0x80000047;
	s4 =	smax.u32 s6, $0x1;
	s5 =	sadd.s32 $0x64000, s3  }
0x9: {  	v0 =	vimm.f32 $0.0e+00;
	s6 =	sadd.s32 $0xC8000, s3;
	s7 =	sadd.s32 s7, s8;
	s8 =	simm.s32 $0x1  }
.LBB2_1:
0xa: {  	s10 =	simm.s32 $0x70;
	s11 =	simm.s32 $0x3C0  }
.LBB2_2:
0xb: {  	p0 =	sne.s32 s11, $0x63FC0;
	[tilespmem:s10+$0x0] =	vst v0  }
0xc: {  	[tilespmem:s10+$0xFFFFFF90] =	vst v0  }
0xd: {  	[tilespmem:s10+$0xFFFFFFA0] =	vst v0  }
.Ltmp0:
0xe: {  	[tilespmem:s10+$0xFFFFFFB0] =	vst v0;
	(pc) =	sbr.rel @p0 .LBB2_2-.Ltmp0, $4  }
0xf: {  	[tilespmem:s10+$0xFFFFFFC0] =	vst v0  }
0x10: {  	[tilespmem:s10+$0xFFFFFFD0] =	vst v0  }
0x11: {  	[tilespmem:s10+$0xFFFFFFE0] =	vst v0  }
0x12: {  	[tilespmem:s10+$0xFFFFFFF0] =	vst v0;
	s10 =	sshra.s32 s11, $0x2;
	s11 =	sadd.s32 $0x200, s11  }
0x13: {  	[tilespmem:s10+$0x0] =	vst v0  }
0x14: {  	[tilespmem:s10+$0xFFFFFF90] =	vst v0  }
0x15: {  	[tilespmem:s10+$0xFFFFFFA0] =	vst v0  }
0x16: {  	[tilespmem:s10+$0xFFFFFFB0] =	vst v0  }
0x17: {  	[tilespmem:s10+$0xFFFFFFC0] =	vst v0  }
0x18: {  	[tilespmem:s10+$0xFFFFFFD0] =	vst v0  }
0x19: {  	[tilespmem:s10+$0xFFFFFFE0] =	vst v0  }
0x1a: {  	[tilespmem:s10+$0xFFFFFFF0] =	vst v0  }
0x1b: {  	[hbm4b:s3+s2] =	stream.linear.scatter [tilespmem:s2], [sflag:$0x1], $0x19000, $0x38;
	[tilespmem:$0x19000] =	vst v63  }
0x1c: {  	_ =	swait.ge [sflag:s8], $0x19000  }
0x1d: {  	[sflag:s8] =	ssyncset.done $0x0  }
0x1e: {  	[sflag:s8] =	ssyncadd.s32 $0xFFFE7000  }
0x1f: {  	[hbm4b:s5+s2] =	stream.linear.scatter [tilespmem:s2], [sflag:$0x1], $0x19000, $0x38;
	[tilespmem:$0x19000] =	vst v63  }
0x20: {  	_ =	swait.ge [sflag:s8], $0x19000  }
0x21: {  	[sflag:s8] =	ssyncset.done $0x0  }
0x22: {  	[sflag:s8] =	ssyncadd.s32 $0xFFFE7000  }
0x23: {  	[hbm4b:s6+s2] =	stream.linear.scatter [tilespmem:s2], [sflag:$0x1], $0x19000, $0x38;
	[tilespmem:$0x19000] =	vst v63  }
0x24: {  	s9 =	sadd.s32 $0x1, s9;
	_ =	swait.ge [sflag:s8], $0x19000  }
0x25: {  	p0 =	sne.s32 s9, s4;
	[sflag:s8] =	ssyncset.done $0x0  }
.Ltmp1:
0x26: {  	[sflag:s8] =	ssyncadd.s32 $0xFFFE7000;
	(pc) =	sbr.rel @p0 .LBB2_1-.Ltmp1, $4  }
0x27: {  	[hbm4b:s7+s2] =	stream.linear.scatter [tilespmem:s2], [sflag:$0x1], $0x19000, $0x38;
	[tilespmem:$0x19000] =	vst v63  }
0x28: {  	_ =	swait.ge [sflag:s8], $0x19000  }
0x29: {  	[sflag:s8] =	ssyncset.done $0x0  }
0x2a: {  	[sflag:s8] =	ssyncadd.s32 $0xFFFE7000  }
0x2b: {  	_ =	sfence.sel $0x180000  }
0x2c: {  	[bflag:$0x0] =	sbarrier.arrive $0xFFFF  }
0x2d: {  	p0 =	sne.s32 s1, $0x0;
	_ =	strace $0x90000047  }
0x2e: {  	s0 =	sadd.s32 @!p0 $0x100000, s0;
	[bflag:$0x2] =	sbarrier.arrive $0xFFFF  }
0x2f: {  	[sflag:s0] =	ssyncadd.tile.s32 @!p0 $0x1;
	_ =	shalt  }
.Lfunc_end2:
_tile_overlayer_lowered:
.L_overlay_start_2:
0x30: {  	(tag) =	ssettag $0x2  }
0x31: {  	s0 =	rddreg [dreg:$0x0];
	s2 =	stileid.u32  }
0x32: {  	s1 =	rddreg [dreg:$0x1];
	p0 =	sne.s32 s2, $0x0  }
0x33: {  	s3 =	rddreg [dreg:$0x2];
	[bflag:$0x3] =	sbarrier.arrive $0xFFFF;
	s2 =	simm.s32 @!p0 $0x1C02  }
0x34: {  	[timem:s3], [sflag:s2] =	dma.local @!p0 [hbm:s0], s1  }
0x35: {  	s0 =	simm.s32 @!p0 $0x2  }
0x36: {  	_ =	swait.ge @!p0 [sflag:s0], s1  }
0x37: {  	s1 =	ssub.s32 @!p0 $0x0, s1;
	[sflag:s0] =	ssyncset.done @!p0 $0x0  }
0x38: {  	[sflag:s0] =	ssyncadd.s32 @!p0 s1  }
0x39: {  	[bflag:$0x3] =	sbarrier.arrive $0xFFFF  }
0x3a: {  	_ =	shalt  }

</sc_bundles>
